<compile_context>
chip_gen: v7x
topology: tpu7x:2x2x1
jax: 0.10.2.dev20260603
libtpu: 0.0.44.dev20260713+nightly
codegen_flags: <defaults>
</compile_context>

<pallas_src>
import jax
import jax.numpy as jnp
from jax import lax
from jax.experimental import pallas as pl
from jax.experimental.pallas import tpu as pltpu
from jax.experimental.pallas import tpu_sc as plsc

N_TOKENS = 32
D_MODEL = 1024
N_EXPERTS = 16
N_GROUPS = 4
EXPERTS_PER_GROUP = N_EXPERTS // N_GROUPS
TOP_K = 2
N_TOP_GROUPS = 2
D_HID_ROUTED = 2048
D_HID_SHARED = 4096

H_TILE = 1024
N_SHARED_TILES = D_HID_SHARED // H_TILE

NEG_BIG = -1e30


def _scores_body(x_ref, gcp_ref, ec_ref, lb_ref, gs_ref, es_ref):
    x = x_ref[...]
    xn = x / jnp.maximum(
        jnp.sqrt(jnp.sum(x * x, axis=-1, keepdims=True)), 1e-12)
    gcp = gcp_ref[...]
    gcn = gcp / jnp.maximum(
        jnp.sqrt(jnp.sum(gcp * gcp, axis=-1, keepdims=True)), 1e-12)
    ec = ec_ref[...]
    ecn = ec / jnp.maximum(
        jnp.sqrt(jnp.sum(ec * ec, axis=-1, keepdims=True)), 1e-12)
    gs = lax.dot_general(xn, gcn, (((1,), (1,)), ((), ())),
                         preferred_element_type=jnp.float32)
    col = lax.broadcasted_iota(jnp.int32, (N_TOKENS, N_EXPERTS), 1)
    gs_ref[...] = jnp.where(col < N_GROUPS, gs, NEG_BIG)
    es = lax.dot_general(xn, ecn, (((1,), (1,)), ((), ())),
                         preferred_element_type=jnp.float32)
    es_ref[...] = es + lb_ref[...]


def _routing_scores(x, group_centroids, expert_centroids, lb_bias):
    gc_pad = jnp.zeros((N_EXPERTS, D_MODEL), jnp.float32).at[:N_GROUPS].set(
        group_centroids)
    return pl.pallas_call(
        _scores_body,
        out_shape=(
            jax.ShapeDtypeStruct((N_TOKENS, N_EXPERTS), jnp.float32),
            jax.ShapeDtypeStruct((N_TOKENS, N_EXPERTS), jnp.float32),
        ),
    )(x, gc_pad, expert_centroids, lb_bias.reshape(1, N_EXPERTS))


def _sc_route_body(gs_hbm, es_hbm, out_hbm, gs_v, es_v, rank_v, comb_v):
    wid = lax.axis_index("s") * 2 + lax.axis_index("c")
    pltpu.sync_copy(gs_hbm.at[wid], gs_v)
    pltpu.sync_copy(es_hbm.at[wid], es_v)

    lane = lax.iota(jnp.int32, 16)
    _, gidx = plsc.sort_key_val(gs_v[...], lane, descending=True)
    plsc.store_scatter(rank_v, [gidx], lane)
    grank = plsc.load_gather(rank_v, [lane // EXPERTS_PER_GROUP])
    masked = jnp.where(grank < N_TOP_GROUPS, es_v[...], -1e9)
    sorted_s, eidx = plsc.sort_key_val(masked, lane, descending=True)
    smax = jnp.max(sorted_s)
    e = jnp.where(lane < TOP_K, jnp.exp(sorted_s - smax), 0.0)
    gates = e / jnp.sum(e)
    plsc.store_scatter(comb_v, [eidx], gates)
    pltpu.sync_copy(comb_v, out_hbm.at[wid])


def _sc_route(gs, es):
    mesh = plsc.VectorSubcoreMesh(core_axis_name="c", subcore_axis_name="s")
    return pl.kernel(
        _sc_route_body,
        mesh=mesh,
        compiler_params=pltpu.CompilerParams(needs_layout_passes=False),
        out_type=jax.ShapeDtypeStruct((N_TOKENS, N_EXPERTS), jnp.float32),
        scratch_types=[
            pltpu.VMEM((16,), jnp.float32),
            pltpu.VMEM((16,), jnp.float32),
            pltpu.VMEM((16,), jnp.int32),
            pltpu.VMEM((16,), jnp.float32),
        ],
    )(gs, es)


def _silu(v):
    return v / (1.0 + jnp.exp(-v))


R_TILE = 1024
N_R_TILES = D_HID_ROUTED // R_TILE


def _experts_body(x_ref, wg_ref, wu_ref, wd_ref, c_ref, s_ref, out_ref):
    e = pl.program_id(0)
    h = pl.program_id(1)

    @pl.when(jnp.logical_and(e == 0, h == 0))
    def _():
        out_ref[...] = s_ref[...]

    x = x_ref[...]
    hg = jnp.dot(x, wg_ref[0], preferred_element_type=jnp.float32)
    hu = jnp.dot(x, wu_ref[0], preferred_element_type=jnp.float32)
    hsw = _silu(hg) * hu
    col = lax.broadcasted_iota(jnp.int32, (N_TOKENS, N_EXPERTS), 1)
    c_e = jnp.sum(jnp.where(col == e, c_ref[...], 0.0), axis=1, keepdims=True)
    out_ref[...] += c_e * jnp.dot(hsw, wd_ref[0],
                                  preferred_element_type=jnp.float32)


def _routed_output(x, Wg, Wu, Wd, comb, shared):
    return pl.pallas_call(
        _experts_body,
        grid=(N_EXPERTS, N_R_TILES),
        in_specs=[
            pl.BlockSpec((N_TOKENS, D_MODEL), lambda e, h: (0, 0)),
            pl.BlockSpec((1, D_MODEL, R_TILE), lambda e, h: (e, 0, h)),
            pl.BlockSpec((1, D_MODEL, R_TILE), lambda e, h: (e, 0, h)),
            pl.BlockSpec((1, R_TILE, D_MODEL), lambda e, h: (e, h, 0)),
            pl.BlockSpec((N_TOKENS, N_EXPERTS), lambda e, h: (0, 0)),
            pl.BlockSpec((N_TOKENS, D_MODEL), lambda e, h: (0, 0)),
        ],
        out_specs=pl.BlockSpec((N_TOKENS, D_MODEL), lambda e, h: (0, 0)),
        out_shape=jax.ShapeDtypeStruct((N_TOKENS, D_MODEL), jnp.float32),
    )(x, Wg, Wu, Wd, comb, shared)


def _shared_body(x_ref, sg_ref, su_ref, sd_ref, out_ref):
    h = pl.program_id(0)
    x = x_ref[...]
    hg = jnp.dot(x, sg_ref[...], preferred_element_type=jnp.float32)
    hu = jnp.dot(x, su_ref[...], preferred_element_type=jnp.float32)
    hsw = _silu(hg) * hu
    part = jnp.dot(hsw, sd_ref[...], preferred_element_type=jnp.float32)

    @pl.when(h == 0)
    def _():
        out_ref[...] = part

    @pl.when(h > 0)
    def _():
        out_ref[...] += part


def _shared_output(x, Sg, Su, Sd):
    return pl.pallas_call(
        _shared_body,
        grid=(N_SHARED_TILES,),
        in_specs=[
            pl.BlockSpec((N_TOKENS, D_MODEL), lambda h: (0, 0)),
            pl.BlockSpec((D_MODEL, H_TILE), lambda h: (0, h)),
            pl.BlockSpec((D_MODEL, H_TILE), lambda h: (0, h)),
            pl.BlockSpec((H_TILE, D_MODEL), lambda h: (h, 0)),
        ],
        out_specs=pl.BlockSpec((N_TOKENS, D_MODEL), lambda h: (0, 0)),
        out_shape=jax.ShapeDtypeStruct((N_TOKENS, D_MODEL), jnp.float32),
    )(x, Sg, Su, Sd)


def kernel(x, group_centroids, expert_centroids, lb_bias, Wg, Wu, Wd, Sg, Su,
           Sd):
    gs, es = _routing_scores(x, group_centroids, expert_centroids, lb_bias)
    comb = _sc_route(gs, es)
    shared = _shared_output(x, Sg, Su, Sd)
    return _routed_output(x, Wg, Wu, Wd, comb, shared)

# --- scband reference (transcript-rebuilt; emitter-appended) ---
"""Pipeline reference for scband-deep-seek-mo-ev3-64278480552168 (READ-ONLY COPY).

The authoritative reference and input builder live on the scoring server;
editing this copy changes nothing except your own understanding.
"""

import jax, jax.numpy as jnp
import numpy as np

N_TOKENS = 32
D_MODEL = 1024
N_EXPERTS = 16
N_GROUPS = 4
EXPERTS_PER_GROUP = N_EXPERTS // N_GROUPS
TOP_K = 2
N_TOP_GROUPS = max(1, N_GROUPS // 2)
D_HID_ROUTED = 2048   # d_model * routed_hidden_mult (2.0)
D_HID_SHARED = 4096   # d_model * shared_hidden_mult (4.0)


def _normalize(v):
    # matches F.normalize(dim=-1): v / max(||v||, eps)
    n = jnp.linalg.norm(v, axis=-1, keepdims=True)
    return v / jnp.maximum(n, 1e-12)


def setup_inputs(seed: int = 0) -> dict:
    key = jax.random.key(seed)
    ks = jax.random.split(key, 12)
    x = jax.random.normal(ks[0], (N_TOKENS, D_MODEL), dtype=jnp.float32)
    group_centroids = jax.random.normal(ks[1], (N_GROUPS, D_MODEL), dtype=jnp.float32) * 0.02
    expert_centroids = jax.random.normal(ks[2], (N_EXPERTS, D_MODEL), dtype=jnp.float32) * 0.02
    lb_bias = jnp.zeros((N_EXPERTS,), dtype=jnp.float32)  # load-balance bias, initialized to 0
    # routed experts (SwiGLU), stacked: weights stored as [E, d_in, d_out]
    Wg = jax.random.normal(ks[3], (N_EXPERTS, D_MODEL, D_HID_ROUTED), dtype=jnp.float32) * 0.02
    Wu = jax.random.normal(ks[4], (N_EXPERTS, D_MODEL, D_HID_ROUTED), dtype=jnp.float32) * 0.02
    Wd = jax.random.normal(ks[5], (N_EXPERTS, D_HID_ROUTED, D_MODEL), dtype=jnp.float32) * 0.02
    # shared expert (n_shared_experts = 1)
    Sg = jax.random.normal(ks[6], (D_MODEL, D_HID_SHARED), dtype=jnp.float32) * 0.02
    Su = jax.random.normal(ks[7], (D_MODEL, D_HID_SHARED), dtype=jnp.float32) * 0.02
    Sd = jax.random.normal(ks[8], (D_HID_SHARED, D_MODEL), dtype=jnp.float32) * 0.02
    return {"x": x, "group_centroids": group_centroids, "expert_centroids": expert_centroids,
            "lb_bias": lb_bias, "Wg": Wg, "Wu": Wu, "Wd": Wd, "Sg": Sg, "Su": Su, "Sd": Sd}


def reference(x, group_centroids, expert_centroids, lb_bias, Wg, Wu, Wd, Sg, Su, Sd):
    n_tokens = x.shape[0]
    # ---- hierarchical 2-stage routing ----
    x_norm = _normalize(x)
    gc_norm = _normalize(group_centroids)
    group_scores = x_norm @ gc_norm.T                      # [N, G]
    _, top_group_indices = jax.lax.top_k(group_scores, N_TOP_GROUPS)
    ec_norm = _normalize(expert_centroids)
    expert_scores = x_norm @ ec_norm.T + lb_bias[None, :]  # [N, E]
    expert_to_group = jnp.arange(N_EXPERTS) // EXPERTS_PER_GROUP
    group_mask = jnp.zeros((n_tokens, N_EXPERTS), dtype=jnp.float32)
    for g in range(N_TOP_GROUPS):
        selected_group = top_group_indices[:, g:g + 1]
        matches = (expert_to_group[None, :] == selected_group).astype(jnp.float32)
        group_mask = group_mask + matches
    group_mask = jnp.clip(group_mask, 0.0, 1.0)
    masked_scores = expert_scores * group_mask + (1.0 - group_mask) * (-1e9)
    top_scores, top_expert_indices = jax.lax.top_k(masked_scores, TOP_K)
    gates = jax.nn.softmax(top_scores, axis=-1)            # [N, top_k]
    # dense combine weights [N, E] (scatter of gates by selected expert)
    combine = jnp.zeros((n_tokens, N_EXPERTS), dtype=jnp.float32)
    combine = combine.at[jnp.arange(n_tokens)[:, None], top_expert_indices].add(gates)
    # ---- routed experts (SwiGLU) ----
    h_g = jnp.einsum('nd,edh->enh', x, Wg)
    h_u = jnp.einsum('nd,edh->enh', x, Wu)
    h = jax.nn.silu(h_g) * h_u
    expert_out = jnp.einsum('enh,ehd->end', h, Wd)         # [E, N, D]
    routed = jnp.einsum('ne,end->nd', combine, expert_out)
    # ---- shared expert (always active) ----
    shared = (jax.nn.silu(x @ Sg) * (x @ Su)) @ Sd
    return routed + shared

if __name__ == "__main__":
    import jax
    _d = setup_inputs()
    print(jax.jit(kernel)(*tuple(_d.values())))

</pallas_src>

<mosaic_0001>
#map = affine_map<(d0, d1) -> (0, 0)>
module attributes {stable_mosaic.version = 14 : i64} {
  func.func @_sc_route_body(%arg0: i32, %arg1: i32, %arg2: memref<32x16xf32, #tpu.memory_space<hbm>>, %arg3: memref<32x16xf32, #tpu.memory_space<hbm>>, %arg4: memref<32x16xf32, #tpu.memory_space<hbm>>, %arg5: memref<16xf32, #tpu.memory_space<vmem>>, %arg6: memref<16xf32, #tpu.memory_space<vmem>>, %arg7: memref<16xi32, #tpu.memory_space<vmem>>, %arg8: memref<16xf32, #tpu.memory_space<vmem>>) attributes {dimension_semantics = [#tpu.dimension_semantics<core_parallel>, #tpu.dimension_semantics<subcore_parallel>], iteration_bounds = array<i64: 2, 16>, scalar_prefetch = 0 : i64, scratch_operands = 4 : i64, tpu.core_type = #tpu.core_type<sc_vector_subcore>, window_params = [{transform_indices = #map}, {transform_indices = #map}, {transform_indices = #map}]} {
    %mul3A = arith.constant 2 : i32
    %mul3A_0 = arith.muli %arg1, %mul3A : i32
    %add3A = arith.addi %mul3A_0, %arg0 : i32
    "tpu.region"() ({
      %run_scoped3A = tpu.sem_alloc : memref<!tpu.dma_semaphore, #tpu.memory_space<semaphore_mem>>
      %dma_start3A = arith.constant 0 : i32
      %dma_start3A_54 = tpu.memref_slice %arg2[%add3A, %dma_start3A] : memref<32x16xf32, #tpu.memory_space<hbm>> -> memref<1x16xf32, #tpu.memory_space<hbm>>
      %dma_start3A_55 = tpu.memref_squeeze %dma_start3A_54 : memref<1x16xf32, #tpu.memory_space<hbm>> -> memref<16xf32, #tpu.memory_space<hbm>>
      %dma_start3A_56 = arith.constant 0 : i32
      %dma_start3A_57 = tpu.memref_slice %arg2[%add3A, %dma_start3A_56] : memref<32x16xf32, #tpu.memory_space<hbm>> -> memref<1x16xf32, #tpu.memory_space<hbm>>
      %dma_start3A_58 = tpu.memref_squeeze %dma_start3A_57 : memref<1x16xf32, #tpu.memory_space<hbm>> -> memref<16xf32, #tpu.memory_space<hbm>>
      tpu.enqueue_dma source(%dma_start3A_58 : memref<16xf32, #tpu.memory_space<hbm>>) target(%arg5 : memref<16xf32, #tpu.memory_space<vmem>>) target_semaphore(%run_scoped3A : memref<!tpu.dma_semaphore, #tpu.memory_space<semaphore_mem>>)
      %dma_wait3A = arith.constant 0 : i32
      %dma_wait3A_59 = tpu.memref_slice %arg2[%add3A, %dma_wait3A] : memref<32x16xf32, #tpu.memory_space<hbm>> -> memref<1x16xf32, #tpu.memory_space<hbm>>
      %dma_wait3A_60 = tpu.memref_squeeze %dma_wait3A_59 : memref<1x16xf32, #tpu.memory_space<hbm>> -> memref<16xf32, #tpu.memory_space<hbm>>
      %dma_wait3A_61 = arith.constant 0 : i32
      %dma_wait3A_62 = tpu.memref_slice %arg2[%add3A, %dma_wait3A_61] : memref<32x16xf32, #tpu.memory_space<hbm>> -> memref<1x16xf32, #tpu.memory_space<hbm>>
      %dma_wait3A_63 = tpu.memref_squeeze %dma_wait3A_62 : memref<1x16xf32, #tpu.memory_space<hbm>> -> memref<16xf32, #tpu.memory_space<hbm>>
      tpu.wait_dma2 semaphore(%run_scoped3A : memref<!tpu.dma_semaphore, #tpu.memory_space<semaphore_mem>>) src(%dma_wait3A_63 : memref<16xf32, #tpu.memory_space<hbm>>) dst(%arg5 : memref<16xf32, #tpu.memory_space<vmem>>)
      tpu.yield
    }) : () -> ()
    "tpu.region"() ({
      %run_scoped3A = tpu.sem_alloc : memref<!tpu.dma_semaphore, #tpu.memory_space<semaphore_mem>>
      %dma_start3A = arith.constant 0 : i32
      %dma_start3A_54 = tpu.memref_slice %arg3[%add3A, %dma_start3A] : memref<32x16xf32, #tpu.memory_space<hbm>> -> memref<1x16xf32, #tpu.memory_space<hbm>>
      %dma_start3A_55 = tpu.memref_squeeze %dma_start3A_54 : memref<1x16xf32, #tpu.memory_space<hbm>> -> memref<16xf32, #tpu.memory_space<hbm>>
      %dma_start3A_56 = arith.constant 0 : i32
      %dma_start3A_57 = tpu.memref_slice %arg3[%add3A, %dma_start3A_56] : memref<32x16xf32, #tpu.memory_space<hbm>> -> memref<1x16xf32, #tpu.memory_space<hbm>>
      %dma_start3A_58 = tpu.memref_squeeze %dma_start3A_57 : memref<1x16xf32, #tpu.memory_space<hbm>> -> memref<16xf32, #tpu.memory_space<hbm>>
      tpu.enqueue_dma source(%dma_start3A_58 : memref<16xf32, #tpu.memory_space<hbm>>) target(%arg6 : memref<16xf32, #tpu.memory_space<vmem>>) target_semaphore(%run_scoped3A : memref<!tpu.dma_semaphore, #tpu.memory_space<semaphore_mem>>)
      %dma_wait3A = arith.constant 0 : i32
      %dma_wait3A_59 = tpu.memref_slice %arg3[%add3A, %dma_wait3A] : memref<32x16xf32, #tpu.memory_space<hbm>> -> memref<1x16xf32, #tpu.memory_space<hbm>>
      %dma_wait3A_60 = tpu.memref_squeeze %dma_wait3A_59 : memref<1x16xf32, #tpu.memory_space<hbm>> -> memref<16xf32, #tpu.memory_space<hbm>>
      %dma_wait3A_61 = arith.constant 0 : i32
      %dma_wait3A_62 = tpu.memref_slice %arg3[%add3A, %dma_wait3A_61] : memref<32x16xf32, #tpu.memory_space<hbm>> -> memref<1x16xf32, #tpu.memory_space<hbm>>
      %dma_wait3A_63 = tpu.memref_squeeze %dma_wait3A_62 : memref<1x16xf32, #tpu.memory_space<hbm>> -> memref<16xf32, #tpu.memory_space<hbm>>
      tpu.wait_dma2 semaphore(%run_scoped3A : memref<!tpu.dma_semaphore, #tpu.memory_space<semaphore_mem>>) src(%dma_wait3A_63 : memref<16xf32, #tpu.memory_space<hbm>>) dst(%arg6 : memref<16xf32, #tpu.memory_space<vmem>>)
      tpu.yield
    }) : () -> ()
    %iota3A = tpu.iota {dimensions = array<i32: 0>} : vector<16xi32>
    %get3A = arith.constant 0 : index
    %get3A_1 = tpu.vector_load %arg5[%get3A] {strides = array<i32>} : memref<16xf32, #tpu.memory_space<vmem>>, vector<16xf32>,
    %masked_sort3A = arith.constant dense<true> : vector<16xi1>
    %masked_sort3A_2, %masked_sort3A_3, %masked_sort3A_4 = tpu.sort %get3A_1, %iota3A masked %masked_sort3A {descending = true} : (vector<16xf32>, vector<16xi32>, vector<16xi1>) -> (vector<16xi1>, vector<16xf32>, vector<16xi32>)
    tpu.vector_store_idx %arg7[%masked_sort3A_4], %iota3A : memref<16xi32, #tpu.memory_space<vmem>>[vector<16xi32>], vector<16xi32>,
    %jit3A = arith.constant 4 : i32
    %div3A = vector.broadcast %jit3A : i32 to vector<16xi32>
    %div3A_5 = arith.divsi %iota3A, %div3A : vector<16xi32>
    %sign3A = arith.constant 0 : i32
    %sign3A_6 = vector.broadcast %sign3A : i32 to vector<16xi32>
    %sign3A_7 = arith.cmpi sgt, %iota3A, %sign3A_6 : vector<16xi32>
    %sign3A_8 = arith.extui %sign3A_7 : vector<16xi1> to vector<16xi32>
    %sign3A_9 = arith.constant 0 : i32
    %sign3A_10 = vector.broadcast %sign3A_9 : i32 to vector<16xi32>
    %sign3A_11 = arith.cmpi slt, %iota3A, %sign3A_10 : vector<16xi32>
    %sign3A_12 = arith.extui %sign3A_11 : vector<16xi1> to vector<16xi32>
    %sign3A_13 = arith.subi %sign3A_8, %sign3A_12 : vector<16xi32>
    %sign3A_14 = arith.constant 0 : i32
    %sign3A_15 = arith.cmpi sgt, %jit3A, %sign3A_14 : i32
    %sign3A_16 = arith.extui %sign3A_15 : i1 to i32
    %sign3A_17 = arith.constant 0 : i32
    %sign3A_18 = arith.cmpi slt, %jit3A, %sign3A_17 : i32
    %sign3A_19 = arith.extui %sign3A_18 : i1 to i32
    %sign3A_20 = arith.subi %sign3A_16, %sign3A_19 : i32
    %ne3A = vector.broadcast %sign3A_20 : i32 to vector<16xi32>
    %ne3A_21 = arith.cmpi ne, %sign3A_13, %ne3A : vector<16xi32>
    %rem3A = vector.broadcast %jit3A : i32 to vector<16xi32>
    %rem3A_22 = arith.remsi %iota3A, %rem3A : vector<16xi32>
    %ne3A_23 = arith.constant 0 : i32
    %ne3A_24 = vector.broadcast %ne3A_23 : i32 to vector<16xi32>
    %ne3A_25 = arith.cmpi ne, %rem3A_22, %ne3A_24 : vector<16xi32>
    %and3A = arith.andi %ne3A_21, %ne3A_25 : vector<16xi1>
    %sub3A = arith.constant 1 : i32
    %sub3A_26 = vector.broadcast %sub3A : i32 to vector<16xi32>
    %sub3A_27 = arith.subi %div3A_5, %sub3A_26 : vector<16xi32>
    %select_n3A = arith.select %and3A, %sub3A_27, %div3A_5 : vector<16xi1>, vector<16xi32>
    %gather3A = tpu.vector_load_idx %arg7[%select_n3A] : memref<16xi32, #tpu.memory_space<vmem>>[vector<16xi32>], vector<16xi32>,
    %lt3A = arith.constant 2 : i32
    %lt3A_28 = vector.broadcast %lt3A : i32 to vector<16xi32>
    %lt3A_29 = arith.cmpi slt, %gather3A, %lt3A_28 : vector<16xi32>
    %get3A_30 = arith.constant 0 : index
    %get3A_31 = tpu.vector_load %arg6[%get3A_30] {strides = array<i32>} : memref<16xf32, #tpu.memory_space<vmem>>, vector<16xf32>,
    %jit3A_32 = arith.constant -1.000000e+09 : f32
    %broadcast_in_dim3A = vector.broadcast %jit3A_32 : f32 to vector<16xf32>
    %select_n3A_33 = arith.select %lt3A_29, %get3A_31, %broadcast_in_dim3A : vector<16xi1>, vector<16xf32>
    %masked_sort3A_34 = arith.constant dense<true> : vector<16xi1>
    %masked_sort3A_35, %masked_sort3A_36, %masked_sort3A_37 = tpu.sort %select_n3A_33, %iota3A masked %masked_sort3A_34 {descending = true} : (vector<16xf32>, vector<16xi32>, vector<16xi1>) -> (vector<16xi1>, vector<16xf32>, vector<16xi32>)
    %reduce_max3A = arith.constant true
    %reduce_max3A_38 = vector.broadcast %reduce_max3A : i1 to vector<16xi1>
    %reduce_max3A_39 = tpu.scan <max>, %masked_sort3A_36 masked %reduce_max3A_38 : vector<16xf32>, vector<16xi1> -> vector<16xf32>
    %reduce_max3A_40 = vector.extract %reduce_max3A_39[15] : f32 from vector<16xf32>
    %lt3A_41 = arith.constant 2 : i32
    %lt3A_42 = vector.broadcast %lt3A_41 : i32 to vector<16xi32>
    %lt3A_43 = arith.cmpi slt, %iota3A, %lt3A_42 : vector<16xi32>
    %sub3A_44 = vector.broadcast %reduce_max3A_40 : f32 to vector<16xf32>
    %sub3A_45 = arith.subf %masked_sort3A_36, %sub3A_44 : vector<16xf32>
    %exp3A = math.exp %sub3A_45 : vector<16xf32>
    %jit3A_46 = arith.constant 0.000000e+00 : f32
    %broadcast_in_dim3A_47 = vector.broadcast %jit3A_46 : f32 to vector<16xf32>
    %select_n3A_48 = arith.select %lt3A_43, %exp3A, %broadcast_in_dim3A_47 : vector<16xi1>, vector<16xf32>
    %reduce_sum3A = arith.constant true
    %reduce_sum3A_49 = vector.broadcast %reduce_sum3A : i1 to vector<16xi1>
    %reduce_sum3A_50 = tpu.scan <sum>, %select_n3A_48 masked %reduce_sum3A_49 : vector<16xf32>, vector<16xi1> -> vector<16xf32>
    %reduce_sum3A_51 = vector.extract %reduce_sum3A_50[15] : f32 from vector<16xf32>
    %div3A_52 = vector.broadcast %reduce_sum3A_51 : f32 to vector<16xf32>
    %div3A_53 = arith.divf %select_n3A_48, %div3A_52 : vector<16xf32>
    tpu.vector_store_idx %arg8[%masked_sort3A_37], %div3A_53 : memref<16xf32, #tpu.memory_space<vmem>>[vector<16xi32>], vector<16xf32>,
    "tpu.region"() ({
      %run_scoped3A = tpu.sem_alloc : memref<!tpu.dma_semaphore, #tpu.memory_space<semaphore_mem>>
      %dma_start3A = arith.constant 0 : i32
      %dma_start3A_54 = tpu.memref_slice %arg4[%add3A, %dma_start3A] : memref<32x16xf32, #tpu.memory_space<hbm>> -> memref<1x16xf32, #tpu.memory_space<hbm>>
      %dma_start3A_55 = tpu.memref_squeeze %dma_start3A_54 : memref<1x16xf32, #tpu.memory_space<hbm>> -> memref<16xf32, #tpu.memory_space<hbm>>
      %dma_start3A_56 = arith.constant 0 : i32
      %dma_start3A_57 = tpu.memref_slice %arg4[%add3A, %dma_start3A_56] : memref<32x16xf32, #tpu.memory_space<hbm>> -> memref<1x16xf32, #tpu.memory_space<hbm>>
      %dma_start3A_58 = tpu.memref_squeeze %dma_start3A_57 : memref<1x16xf32, #tpu.memory_space<hbm>> -> memref<16xf32, #tpu.memory_space<hbm>>
      tpu.enqueue_dma source(%arg8 : memref<16xf32, #tpu.memory_space<vmem>>) target(%dma_start3A_58 : memref<16xf32, #tpu.memory_space<hbm>>) target_semaphore(%run_scoped3A : memref<!tpu.dma_semaphore, #tpu.memory_space<semaphore_mem>>)
      %dma_wait3A = arith.constant 0 : i32
      %dma_wait3A_59 = tpu.memref_slice %arg4[%add3A, %dma_wait3A] : memref<32x16xf32, #tpu.memory_space<hbm>> -> memref<1x16xf32, #tpu.memory_space<hbm>>
      %dma_wait3A_60 = tpu.memref_squeeze %dma_wait3A_59 : memref<1x16xf32, #tpu.memory_space<hbm>> -> memref<16xf32, #tpu.memory_space<hbm>>
      %dma_wait3A_61 = arith.constant 0 : i32
      %dma_wait3A_62 = tpu.memref_slice %arg4[%add3A, %dma_wait3A_61] : memref<32x16xf32, #tpu.memory_space<hbm>> -> memref<1x16xf32, #tpu.memory_space<hbm>>
      %dma_wait3A_63 = tpu.memref_squeeze %dma_wait3A_62 : memref<1x16xf32, #tpu.memory_space<hbm>> -> memref<16xf32, #tpu.memory_space<hbm>>
      tpu.wait_dma2 semaphore(%run_scoped3A : memref<!tpu.dma_semaphore, #tpu.memory_space<semaphore_mem>>) src(%arg8 : memref<16xf32, #tpu.memory_space<vmem>>) dst(%dma_wait3A_63 : memref<16xf32, #tpu.memory_space<hbm>>)
      tpu.yield
    }) : () -> ()
    return
  }
}

module attributes {stable_mosaic.version = 14 : i64} {
  func.func @_scores_body(%arg0: memref<32x1024xf32, #tpu.memory_space<vmem>>, %arg1: memref<16x1024xf32, #tpu.memory_space<vmem>>, %arg2: memref<16x1024xf32, #tpu.memory_space<vmem>>, %arg3: memref<1x16xf32, #tpu.memory_space<vmem>>, %arg4: memref<32x16xf32, #tpu.memory_space<vmem>>, %arg5: memref<32x16xf32, #tpu.memory_space<vmem>>) attributes {dimension_semantics = [], scalar_prefetch = 0 : i64, scratch_operands = 0 : i64, tpu.core_type = #tpu.core_type<tc>} {
    %get3A = arith.constant 0 : index
    %get3A_0 = arith.constant 0 : index
    %get3A_1 = vector.load %arg0[%get3A, %get3A_0] : memref<32x1024xf32, #tpu.memory_space<vmem>>, vector<32x1024xf32>
    %mul3A = arith.mulf %get3A_1, %get3A_1 : vector<32x1024xf32>
    %reduce_sum3A = arith.constant dense<0.000000e+00> : vector<32xf32>
    %reduce_sum3A_2 = vector.multi_reduction <add>, %mul3A, %reduce_sum3A [1] : vector<32x1024xf32> to vector<32xf32>
    %broadcast_in_dim3A = vector.shape_cast %reduce_sum3A_2 : vector<32xf32> to vector<32x1xf32>
    %sqrt3A = math.sqrt %broadcast_in_dim3A : vector<32x1xf32>
    %max3A = arith.constant 9.99999996E-13 : f32
    %max3A_3 = vector.broadcast %max3A : f32 to vector<32x1xf32>
    %max3A_4 = arith.maximumf %sqrt3A, %max3A_3 : vector<32x1xf32>
    %div3A = vector.broadcast %max3A_4 : vector<32x1xf32> to vector<32x1024xf32>
    %div3A_5 = arith.divf %get3A_1, %div3A : vector<32x1024xf32>
    %get3A_6 = arith.constant 0 : index
    %get3A_7 = arith.constant 0 : index
    %get3A_8 = vector.load %arg1[%get3A_6, %get3A_7] : memref<16x1024xf32, #tpu.memory_space<vmem>>, vector<16x1024xf32>
    %mul3A_9 = arith.mulf %get3A_8, %get3A_8 : vector<16x1024xf32>
    %reduce_sum3A_10 = arith.constant dense<0.000000e+00> : vector<16xf32>
    %reduce_sum3A_11 = vector.multi_reduction <add>, %mul3A_9, %reduce_sum3A_10 [1] : vector<16x1024xf32> to vector<16xf32>
    %broadcast_in_dim3A_12 = vector.shape_cast %reduce_sum3A_11 : vector<16xf32> to vector<16x1xf32>
    %sqrt3A_13 = math.sqrt %broadcast_in_dim3A_12 : vector<16x1xf32>
    %max3A_14 = arith.constant 9.99999996E-13 : f32
    %max3A_15 = vector.broadcast %max3A_14 : f32 to vector<16x1xf32>
    %max3A_16 = arith.maximumf %sqrt3A_13, %max3A_15 : vector<16x1xf32>
    %div3A_17 = vector.broadcast %max3A_16 : vector<16x1xf32> to vector<16x1024xf32>
    %div3A_18 = arith.divf %get3A_8, %div3A_17 : vector<16x1024xf32>
    %get3A_19 = arith.constant 0 : index
    %get3A_20 = arith.constant 0 : index
    %get3A_21 = vector.load %arg2[%get3A_19, %get3A_20] : memref<16x1024xf32, #tpu.memory_space<vmem>>, vector<16x1024xf32>
    %mul3A_22 = arith.mulf %get3A_21, %get3A_21 : vector<16x1024xf32>
    %reduce_sum3A_23 = arith.constant dense<0.000000e+00> : vector<16xf32>
    %reduce_sum3A_24 = vector.multi_reduction <add>, %mul3A_22, %reduce_sum3A_23 [1] : vector<16x1024xf32> to vector<16xf32>
    %broadcast_in_dim3A_25 = vector.shape_cast %reduce_sum3A_24 : vector<16xf32> to vector<16x1xf32>
    %sqrt3A_26 = math.sqrt %broadcast_in_dim3A_25 : vector<16x1xf32>
    %max3A_27 = arith.constant 9.99999996E-13 : f32
    %max3A_28 = vector.broadcast %max3A_27 : f32 to vector<16x1xf32>
    %max3A_29 = arith.maximumf %sqrt3A_26, %max3A_28 : vector<16x1xf32>
    %div3A_30 = vector.broadcast %max3A_29 : vector<16x1xf32> to vector<16x1024xf32>
    %div3A_31 = arith.divf %get3A_21, %div3A_30 : vector<16x1024xf32>
    %dot_general3A = arith.constant dense<0.000000e+00> : vector<32x16xf32>
    %dot_general3A_32 = tpu.matmul %div3A_5, %div3A_18, %dot_general3A {dimension_numbers = #tpu.dot_dimension_numbers<[1], [1], [0], [0], [0, 0, 1, 0], [], []>, transpose_lhs_hint = false} : vector<32x1024xf32>, vector<16x1024xf32>, vector<32x16xf32> -> vector<32x16xf32>
    %iota3A = tpu.iota {dimensions = array<i32: 1>} : vector<32x16xi32>
    %lt3A = arith.constant 4 : i32
    %lt3A_33 = vector.broadcast %lt3A : i32 to vector<32x16xi32>
    %lt3A_34 = arith.cmpi slt, %iota3A, %lt3A_33 : vector<32x16xi32>
    %jit3A = arith.constant -1.000000e+30 : f32
    %broadcast_in_dim3A_35 = vector.broadcast %jit3A : f32 to vector<32x16xf32>
    %select_n3A = arith.select %lt3A_34, %dot_general3A_32, %broadcast_in_dim3A_35 : vector<32x16xi1>, vector<32x16xf32>
    %swap3A = arith.constant 0 : index
    %swap3A_36 = arith.constant 0 : index
    %swap3A_37 = vector.load %arg4[%swap3A, %swap3A_36] : memref<32x16xf32, #tpu.memory_space<vmem>>, vector<32x16xf32>
    tpu.vector_store %arg4[%swap3A, %swap3A_36], %select_n3A {strides = array<i32>} : memref<32x16xf32, #tpu.memory_space<vmem>>, vector<32x16xf32>,
    %dot_general3A_38 = arith.constant dense<0.000000e+00> : vector<32x16xf32>
    %dot_general3A_39 = tpu.matmul %div3A_5, %div3A_31, %dot_general3A_38 {dimension_numbers = #tpu.dot_dimension_numbers<[1], [1], [0], [0], [0, 0, 1, 0], [], []>, transpose_lhs_hint = false} : vector<32x1024xf32>, vector<16x1024xf32>, vector<32x16xf32> -> vector<32x16xf32>
    %get3A_40 = arith.constant 0 : index
    %get3A_41 = arith.constant 0 : index
    %get3A_42 = vector.load %arg3[%get3A_40, %get3A_41] : memref<1x16xf32, #tpu.memory_space<vmem>>, vector<1x16xf32>
    %add3A = vector.broadcast %get3A_42 : vector<1x16xf32> to vector<32x16xf32>
    %add3A_43 = arith.addf %dot_general3A_39, %add3A : vector<32x16xf32>
    %swap3A_44 = arith.constant 0 : index
    %swap3A_45 = arith.constant 0 : index
    %swap3A_46 = vector.load %arg5[%swap3A_44, %swap3A_45] : memref<32x16xf32, #tpu.memory_space<vmem>>, vector<32x16xf32>
    tpu.vector_store %arg5[%swap3A_44, %swap3A_45], %add3A_43 {strides = array<i32>} : memref<32x16xf32, #tpu.memory_space<vmem>>, vector<32x16xf32>,
    return
  }
}

module attributes {stable_mosaic.version = 14 : i64} {
  func.func @_experts_body(%arg0: i32, %arg1: i32, %arg2: memref<32x1024xf32, #tpu.memory_space<vmem>>, %arg3: memref<1x1024x1024xf32, #tpu.memory_space<vmem>>, %arg4: memref<1x1024x1024xf32, #tpu.memory_space<vmem>>, %arg5: memref<1x1024x1024xf32, #tpu.memory_space<vmem>>, %arg6: memref<32x16xf32, #tpu.memory_space<vmem>>, %arg7: memref<32x1024xf32, #tpu.memory_space<vmem>>, %arg8: memref<32x1024xf32, #tpu.memory_space<vmem>>) attributes {dimension_semantics = [#tpu.dimension_semantics<arbitrary>, #tpu.dimension_semantics<arbitrary>], iteration_bounds = array<i64: 16, 2>, scalar_prefetch = 0 : i64, scratch_operands = 0 : i64, tpu.core_type = #tpu.core_type<tc>, window_params = [{pipeline_mode = #tpu.pipeline_mode<synchronous>, transform_indices = @transform_0, window_bounds = array<i64: 32, 1024>}, {transform_indices = @transform_1, window_bounds = array<i64: 1, 1024, 1024>}, {transform_indices = @transform_2, window_bounds = array<i64: 1, 1024, 1024>}, {transform_indices = @transform_3, window_bounds = array<i64: 1, 1024, 1024>}, {pipeline_mode = #tpu.pipeline_mode<synchronous>, transform_indices = @transform_4, window_bounds = array<i64: 32, 16>}, {pipeline_mode = #tpu.pipeline_mode<synchronous>, transform_indices = @transform_5, window_bounds = array<i64: 32, 1024>}, {pipeline_mode = #tpu.pipeline_mode<synchronous>, transform_indices = @transform_6, window_bounds = array<i64: 32, 1024>}]} {
    %eq3A = arith.constant 0 : i32
    %eq3A_0 = arith.cmpi eq, %arg0, %eq3A : i32
    %eq3A_1 = arith.constant 0 : i32
    %eq3A_2 = arith.cmpi eq, %arg1, %eq3A_1 : i32
    %and3A = arith.andi %eq3A_0, %eq3A_2 : i1
    %convert_element_type3A = arith.extui %and3A : i1 to i32
    %cond3A = arith.constant 0 : i32
    %cond3A_3 = arith.cmpi ne, %convert_element_type3A, %cond3A : i32
    scf.if %cond3A_3 {
      %get3A_45 = arith.constant 0 : index
      %get3A_46 = arith.constant 0 : index
      %get3A_47 = vector.load %arg7[%get3A_45, %get3A_46] : memref<32x1024xf32, #tpu.memory_space<vmem>>, vector<32x1024xf32>
      %swap3A_48 = arith.constant 0 : index
      %swap3A_49 = arith.constant 0 : index
      %swap3A_50 = vector.load %arg8[%swap3A_48, %swap3A_49] : memref<32x1024xf32, #tpu.memory_space<vmem>>, vector<32x1024xf32>
      tpu.vector_store %arg8[%swap3A_48, %swap3A_49], %get3A_47 {strides = array<i32>} : memref<32x1024xf32, #tpu.memory_space<vmem>>, vector<32x1024xf32>,
    } else {
    }
    %get3A = arith.constant 0 : index
    %get3A_4 = arith.constant 0 : index
    %get3A_5 = vector.load %arg2[%get3A, %get3A_4] : memref<32x1024xf32, #tpu.memory_space<vmem>>, vector<32x1024xf32>
    %get3A_6 = arith.constant 0 : index
    %get3A_7 = arith.constant 0 : index
    %get3A_8 = arith.constant 0 : index
    %get3A_9 = vector.load %arg3[%get3A_6, %get3A_7, %get3A_8] : memref<1x1024x1024xf32, #tpu.memory_space<vmem>>, vector<1x1024x1024xf32>
    %get3A_10 = vector.shape_cast %get3A_9 : vector<1x1024x1024xf32> to vector<1024x1024xf32>
    %dot_general3A = arith.constant dense<0.000000e+00> : vector<32x1024xf32>
    %dot_general3A_11 = tpu.matmul %get3A_5, %get3A_10, %dot_general3A {dimension_numbers = #tpu.dot_dimension_numbers<[1], [0], [0], [1], [0, 0, 1, 1], [], []>, transpose_lhs_hint = false} : vector<32x1024xf32>, vector<1024x1024xf32>, vector<32x1024xf32> -> vector<32x1024xf32>
    %get3A_12 = arith.constant 0 : index
    %get3A_13 = arith.constant 0 : index
    %get3A_14 = arith.constant 0 : index
    %get3A_15 = vector.load %arg4[%get3A_12, %get3A_13, %get3A_14] : memref<1x1024x1024xf32, #tpu.memory_space<vmem>>, vector<1x1024x1024xf32>
    %get3A_16 = vector.shape_cast %get3A_15 : vector<1x1024x1024xf32> to vector<1024x1024xf32>
    %dot_general3A_17 = arith.constant dense<0.000000e+00> : vector<32x1024xf32>
    %dot_general3A_18 = tpu.matmul %get3A_5, %get3A_16, %dot_general3A_17 {dimension_numbers = #tpu.dot_dimension_numbers<[1], [0], [0], [1], [0, 0, 1, 1], [], []>, transpose_lhs_hint = false} : vector<32x1024xf32>, vector<1024x1024xf32>, vector<32x1024xf32> -> vector<32x1024xf32>
    %neg3A = arith.constant 0.000000e+00 : f32
    %neg3A_19 = vector.broadcast %neg3A : f32 to vector<32x1024xf32>
    %neg3A_20 = arith.subf %neg3A_19, %dot_general3A_11 : vector<32x1024xf32>
    %exp3A = math.exp %neg3A_20 : vector<32x1024xf32>
    %add3A = arith.constant 1.000000e+00 : f32
    %add3A_21 = vector.broadcast %add3A : f32 to vector<32x1024xf32>
    %add3A_22 = arith.addf %add3A_21, %exp3A : vector<32x1024xf32>
    %div3A = arith.divf %dot_general3A_11, %add3A_22 : vector<32x1024xf32>
    %mul3A = arith.mulf %div3A, %dot_general3A_18 : vector<32x1024xf32>
    %iota3A = tpu.iota {dimensions = array<i32: 1>} : vector<32x16xi32>
    %eq3A_23 = vector.broadcast %arg0 : i32 to vector<32x16xi32>
    %eq3A_24 = arith.cmpi eq, %iota3A, %eq3A_23 : vector<32x16xi32>
    %get3A_25 = arith.constant 0 : index
    %get3A_26 = arith.constant 0 : index
    %get3A_27 = vector.load %arg6[%get3A_25, %get3A_26] : memref<32x16xf32, #tpu.memory_space<vmem>>, vector<32x16xf32>
    %jit3A = arith.constant 0.000000e+00 : f32
    %broadcast_in_dim3A = vector.broadcast %jit3A : f32 to vector<32x16xf32>
    %select_n3A = arith.select %eq3A_24, %get3A_27, %broadcast_in_dim3A : vector<32x16xi1>, vector<32x16xf32>
    %reduce_sum3A = arith.constant dense<0.000000e+00> : vector<32xf32>
    %reduce_sum3A_28 = vector.multi_reduction <add>, %select_n3A, %reduce_sum3A [1] : vector<32x16xf32> to vector<32xf32>
    %broadcast_in_dim3A_29 = vector.shape_cast %reduce_sum3A_28 : vector<32xf32> to vector<32x1xf32>
    %get3A_30 = arith.constant 0 : index
    %get3A_31 = arith.constant 0 : index
    %get3A_32 = vector.load %arg8[%get3A_30, %get3A_31] : memref<32x1024xf32, #tpu.memory_space<vmem>>, vector<32x1024xf32>
    %get3A_33 = arith.constant 0 : index
    %get3A_34 = arith.constant 0 : index
    %get3A_35 = arith.constant 0 : index
    %get3A_36 = vector.load %arg5[%get3A_33, %get3A_34, %get3A_35] : memref<1x1024x1024xf32, #tpu.memory_space<vmem>>, vector<1x1024x1024xf32>
    %get3A_37 = vector.shape_cast %get3A_36 : vector<1x1024x1024xf32> to vector<1024x1024xf32>
    %dot_general3A_38 = arith.constant dense<0.000000e+00> : vector<32x1024xf32>
    %dot_general3A_39 = tpu.matmul %mul3A, %get3A_37, %dot_general3A_38 {dimension_numbers = #tpu.dot_dimension_numbers<[1], [0], [0], [1], [0, 0, 1, 1], [], []>, transpose_lhs_hint = false} : vector<32x1024xf32>, vector<1024x1024xf32>, vector<32x1024xf32> -> vector<32x1024xf32>
    %mul3A_40 = vector.broadcast %broadcast_in_dim3A_29 : vector<32x1xf32> to vector<32x1024xf32>
    %mul3A_41 = arith.mulf %mul3A_40, %dot_general3A_39 : vector<32x1024xf32>
    %add3A_42 = arith.addf %get3A_32, %mul3A_41 : vector<32x1024xf32>
    %swap3A = arith.constant 0 : index
    %swap3A_43 = arith.constant 0 : index
    %swap3A_44 = vector.load %arg8[%swap3A, %swap3A_43] : memref<32x1024xf32, #tpu.memory_space<vmem>>, vector<32x1024xf32>
    tpu.vector_store %arg8[%swap3A, %swap3A_43], %add3A_42 {strides = array<i32>} : memref<32x1024xf32, #tpu.memory_space<vmem>>, vector<32x1024xf32>,
    return
  }
  func.func @transform_0(%arg0: i32, %arg1: i32) -> (i32, i32) {
    %c0_i32 = arith.constant 0 : i32
    %c0_i32_0 = arith.constant 0 : i32
    %c0_i32_1 = arith.constant 0 : i32
    return %c0_i32, %c0_i32_0 : i32, i32
  }
  func.func @transform_1(%arg0: i32, %arg1: i32) -> (i32, i32, i32) {
    %c0_i32 = arith.constant 0 : i32
    %c0_i32_0 = arith.constant 0 : i32
    return %arg0, %c0_i32, %arg1 : i32, i32, i32
  }
  func.func @transform_2(%arg0: i32, %arg1: i32) -> (i32, i32, i32) {
    %c0_i32 = arith.constant 0 : i32
    %c0_i32_0 = arith.constant 0 : i32
    return %arg0, %c0_i32, %arg1 : i32, i32, i32
  }
  func.func @transform_3(%arg0: i32, %arg1: i32) -> (i32, i32, i32) {
    %c0_i32 = arith.constant 0 : i32
    %c0_i32_0 = arith.constant 0 : i32
    return %arg0, %arg1, %c0_i32 : i32, i32, i32
  }
  func.func @transform_4(%arg0: i32, %arg1: i32) -> (i32, i32) {
    %c0_i32 = arith.constant 0 : i32
    %c0_i32_0 = arith.constant 0 : i32
    %c0_i32_1 = arith.constant 0 : i32
    return %c0_i32, %c0_i32_0 : i32, i32
  }
  func.func @transform_5(%arg0: i32, %arg1: i32) -> (i32, i32) {
    %c0_i32 = arith.constant 0 : i32
    %c0_i32_0 = arith.constant 0 : i32
    %c0_i32_1 = arith.constant 0 : i32
    return %c0_i32, %c0_i32_0 : i32, i32
  }
  func.func @transform_6(%arg0: i32, %arg1: i32) -> (i32, i32) {
    %c0_i32 = arith.constant 0 : i32
    %c0_i32_0 = arith.constant 0 : i32
    %c0_i32_1 = arith.constant 0 : i32
    return %c0_i32, %c0_i32_0 : i32, i32
  }
}

module attributes {stable_mosaic.version = 14 : i64} {
  func.func @_shared_body(%arg0: i32, %arg1: memref<32x1024xf32, #tpu.memory_space<vmem>>, %arg2: memref<1024x1024xf32, #tpu.memory_space<vmem>>, %arg3: memref<1024x1024xf32, #tpu.memory_space<vmem>>, %arg4: memref<1024x1024xf32, #tpu.memory_space<vmem>>, %arg5: memref<32x1024xf32, #tpu.memory_space<vmem>>) attributes {dimension_semantics = [#tpu.dimension_semantics<arbitrary>], iteration_bounds = array<i64: 4>, scalar_prefetch = 0 : i64, scratch_operands = 0 : i64, tpu.core_type = #tpu.core_type<tc>, window_params = [{pipeline_mode = #tpu.pipeline_mode<synchronous>, transform_indices = @transform_0, window_bounds = array<i64: 32, 1024>}, {transform_indices = @transform_1, window_bounds = array<i64: 1024, 1024>}, {transform_indices = @transform_2, window_bounds = array<i64: 1024, 1024>}, {transform_indices = @transform_3, window_bounds = array<i64: 1024, 1024>}, {pipeline_mode = #tpu.pipeline_mode<synchronous>, transform_indices = @transform_4, window_bounds = array<i64: 32, 1024>}]} {
    %get3A = arith.constant 0 : index
    %get3A_0 = arith.constant 0 : index
    %get3A_1 = vector.load %arg1[%get3A, %get3A_0] : memref<32x1024xf32, #tpu.memory_space<vmem>>, vector<32x1024xf32>
    %get3A_2 = arith.constant 0 : index
    %get3A_3 = arith.constant 0 : index
    %get3A_4 = vector.load %arg2[%get3A_2, %get3A_3] : memref<1024x1024xf32, #tpu.memory_space<vmem>>, vector<1024x1024xf32>
    %dot_general3A = arith.constant dense<0.000000e+00> : vector<32x1024xf32>
    %dot_general3A_5 = tpu.matmul %get3A_1, %get3A_4, %dot_general3A {dimension_numbers = #tpu.dot_dimension_numbers<[1], [0], [0], [1], [0, 0, 1, 1], [], []>, transpose_lhs_hint = false} : vector<32x1024xf32>, vector<1024x1024xf32>, vector<32x1024xf32> -> vector<32x1024xf32>
    %get3A_6 = arith.constant 0 : index
    %get3A_7 = arith.constant 0 : index
    %get3A_8 = vector.load %arg3[%get3A_6, %get3A_7] : memref<1024x1024xf32, #tpu.memory_space<vmem>>, vector<1024x1024xf32>
    %dot_general3A_9 = arith.constant dense<0.000000e+00> : vector<32x1024xf32>
    %dot_general3A_10 = tpu.matmul %get3A_1, %get3A_8, %dot_general3A_9 {dimension_numbers = #tpu.dot_dimension_numbers<[1], [0], [0], [1], [0, 0, 1, 1], [], []>, transpose_lhs_hint = false} : vector<32x1024xf32>, vector<1024x1024xf32>, vector<32x1024xf32> -> vector<32x1024xf32>
    %neg3A = arith.constant 0.000000e+00 : f32
    %neg3A_11 = vector.broadcast %neg3A : f32 to vector<32x1024xf32>
    %neg3A_12 = arith.subf %neg3A_11, %dot_general3A_5 : vector<32x1024xf32>
    %exp3A = math.exp %neg3A_12 : vector<32x1024xf32>
    %add3A = arith.constant 1.000000e+00 : f32
    %add3A_13 = vector.broadcast %add3A : f32 to vector<32x1024xf32>
    %add3A_14 = arith.addf %add3A_13, %exp3A : vector<32x1024xf32>
    %div3A = arith.divf %dot_general3A_5, %add3A_14 : vector<32x1024xf32>
    %mul3A = arith.mulf %div3A, %dot_general3A_10 : vector<32x1024xf32>
    %get3A_15 = arith.constant 0 : index
    %get3A_16 = arith.constant 0 : index
    %get3A_17 = vector.load %arg4[%get3A_15, %get3A_16] : memref<1024x1024xf32, #tpu.memory_space<vmem>>, vector<1024x1024xf32>
    %dot_general3A_18 = arith.constant dense<0.000000e+00> : vector<32x1024xf32>
    %dot_general3A_19 = tpu.matmul %mul3A, %get3A_17, %dot_general3A_18 {dimension_numbers = #tpu.dot_dimension_numbers<[1], [0], [0], [1], [0, 0, 1, 1], [], []>, transpose_lhs_hint = false} : vector<32x1024xf32>, vector<1024x1024xf32>, vector<32x1024xf32> -> vector<32x1024xf32>
    %eq3A = arith.constant 0 : i32
    %eq3A_20 = arith.cmpi eq, %arg0, %eq3A : i32
    %convert_element_type3A = arith.extui %eq3A_20 : i1 to i32
    %cond3A = arith.constant 0 : i32
    %cond3A_21 = arith.cmpi ne, %convert_element_type3A, %cond3A : i32
    scf.if %cond3A_21 {
      %swap3A = arith.constant 0 : index
      %swap3A_26 = arith.constant 0 : index
      %swap3A_27 = vector.load %arg5[%swap3A, %swap3A_26] : memref<32x1024xf32, #tpu.memory_space<vmem>>, vector<32x1024xf32>
      tpu.vector_store %arg5[%swap3A, %swap3A_26], %dot_general3A_19 {strides = array<i32>} : memref<32x1024xf32, #tpu.memory_space<vmem>>, vector<32x1024xf32>,
    } else {
    }
    %gt3A = arith.constant 0 : i32
    %gt3A_22 = arith.cmpi sgt, %arg0, %gt3A : i32
    %convert_element_type3A_23 = arith.extui %gt3A_22 : i1 to i32
    %cond3A_24 = arith.constant 0 : i32
    %cond3A_25 = arith.cmpi ne, %convert_element_type3A_23, %cond3A_24 : i32
    scf.if %cond3A_25 {
      %get3A_26 = arith.constant 0 : index
      %get3A_27 = arith.constant 0 : index
      %get3A_28 = vector.load %arg5[%get3A_26, %get3A_27] : memref<32x1024xf32, #tpu.memory_space<vmem>>, vector<32x1024xf32>
      %add3A_29 = arith.addf %get3A_28, %dot_general3A_19 : vector<32x1024xf32>
      %swap3A = arith.constant 0 : index
      %swap3A_30 = arith.constant 0 : index
      %swap3A_31 = vector.load %arg5[%swap3A, %swap3A_30] : memref<32x1024xf32, #tpu.memory_space<vmem>>, vector<32x1024xf32>
      tpu.vector_store %arg5[%swap3A, %swap3A_30], %add3A_29 {strides = array<i32>} : memref<32x1024xf32, #tpu.memory_space<vmem>>, vector<32x1024xf32>,
    } else {
    }
    return
  }
  func.func @transform_0(%arg0: i32) -> (i32, i32) {
    %c0_i32 = arith.constant 0 : i32
    %c0_i32_0 = arith.constant 0 : i32
    %c0_i32_1 = arith.constant 0 : i32
    return %c0_i32, %c0_i32_0 : i32, i32
  }
  func.func @transform_1(%arg0: i32) -> (i32, i32) {
    %c0_i32 = arith.constant 0 : i32
    %c0_i32_0 = arith.constant 0 : i32
    return %c0_i32, %arg0 : i32, i32
  }
  func.func @transform_2(%arg0: i32) -> (i32, i32) {
    %c0_i32 = arith.constant 0 : i32
    %c0_i32_0 = arith.constant 0 : i32
    return %c0_i32, %arg0 : i32, i32
  }
  func.func @transform_3(%arg0: i32) -> (i32, i32) {
    %c0_i32 = arith.constant 0 : i32
    %c0_i32_0 = arith.constant 0 : i32
    return %arg0, %c0_i32 : i32, i32
  }
  func.func @transform_4(%arg0: i32) -> (i32, i32) {
    %c0_i32 = arith.constant 0 : i32
    %c0_i32_0 = arith.constant 0 : i32
    %c0_i32_1 = arith.constant 0 : i32
    return %c0_i32, %c0_i32_0 : i32, i32
  }
}

</mosaic_0001>

<sc_bundles>
// kernel: kernel.6.cloned.1.call-start
scs
__scs_entry_jumppad:
0x0: {  	(pc) =	sbr.rel $0x88, $3  }
0x1: {  	(tag) =	ssettag $0x0;
	lr =	simm.s32 $0x1  }
0x2: {  	[smem:$0x3F97] =	sst lr;
	_ =	strace $0xD0000000  }
0x3: {  	_ = 	snop  }
0x4: {  	_ = 	snop  }
0x5: {  	_ = 	snop  }
0x6: {  	_ = 	snop  }
0x7: {  	_ = 	snop  }
__scs_overlays_trampoline_lowered:
0x8: {  	[smem:$0x3FA6] =	sst s0  }
0x9: {  	[smem:$0x3FA7] =	sst s1  }
0xa: {  	[smem:$0x3FA8] =	sst s2  }
0xb: {  	[smem:$0x3FA9] =	sst s3  }
0xc: {  	[smem:$0x3FAA] =	sst s4  }
0xd: {  	[smem:$0x3FAB] =	sst s5  }
0xe: {  	[smem:$0x3FAC] =	sst s6  }
0xf: {  	[smem:$0x3FAD] =	sst s7  }
0x10: {  	[smem:$0x3FAE] =	sst s8  }
0x11: {  	[smem:$0x3FAF] =	sst s9;
	s0 =	simm.s32 @!p0 $0x0  }
0x12: {  	s1 =	sld [smem:$0x3F95];
	s0 =	simm.s32 @p0 $0x1  }
0x13: {  	[smem:$0x3FB0] =	sst s0;
	s0 =	simm.s32 @!p1 $0x0  }
0x14: {  	s2 =	sld [smem:$0x3F94];
	s0 =	simm.s32 @p1 $0x1  }
0x15: {  	[smem:$0x3FB1] =	sst s0;
	s0 =	simm.s32 @!p2 $0x0  }
0x16: {  	s3 =	sld [smem:$0x3FDB];
	s0 =	simm.s32 @p2 $0x1  }
0x17: {  	s4 =	simm.s32 $0x1BF5;
	[smem:$0x3FB3] =	sst s0  }
0x18: {  	s0 =	sld [smem:$0x3F96];
	_ =	swait.ge [sflag:s4], $0x0  }
0x19: {  	s7 =	sld [smem:$0x3F97]  }
0x1a: {  	s8 =	sadd.s32 $0xFFFFE003, lr  }
0x1b: {  	s9 =	sadd.s32 $0xFFFFFEF7, lr;
	s5 =	simm.s32 $0xFFFFFFFF;
	p2 =	slt.u32 s8, $0xFFFFF086  }
0x1c: {  	p1 =	slt.u32 s9, $0xF7A;
	s5 =	simm.s32 @!p2 $0x0  }
0x1d: {  	s5 =	simm.s32 @p1 $0x1;
	p0 =	seq.s32 s7, s2  }
0x1e: {  	s7 =	smul.u32 @!p0 $0xF7A, s2;
	p2 =	seq.s32 @!p0 s5, $0x0  }
0x1f: {  	s9 =	smul.u32 $0xF7A, s1;
	s8 =	simm.s32 @!p0 $0x1BF5;
	p2 =	por !p2, p0  }
0x20: {  	[sflag:s8] =	ssyncset.s32 @!p0 $0xFFFFF086;
	s6 =	sadd.s32 @!p0 s3, s7;
	s7 =	simm.s32 @!p0 $0x108  }
0x21: {  	s3 =	sadd.s32 s3, s9;
	s6 =	sadd.s32 @!p0 $0x88, s6;
	s7 =	simm.s32 @p2 $0x1082  }
0x22: {  	[simem:s7], [sflag:s8] =	dma.local @!p0 [hbm:s6], $0xF7A  }
0x23: {  	s9 =	sor.u32 $0xD0000000, s2;
	s6 =	simm.s32 $0x108;
	_ =	swait.ge @!p0 [sflag:s8], $0x0  }
0x24: {  	s3 =	sadd.s32 $0x88, s3;
	s6 =	simm.s32 @!p1 $0x1082;
	[sflag:s4] =	ssyncset.s32 $0xFFFFF086  }
0x25: {  	[simem:s6], [sflag:s4] =	dma.local [hbm:s3], $0xF7A  }
0x26: {  	[smem:$0x3F97] =	sst s1;
	(tag) =	ssettag s2;
	_ =	strace s9  }
0x27: {  	s1 =	sld [smem:$0x3FA7]  }
0x28: {  	s2 =	sld [smem:$0x3FA8]  }
0x29: {  	s4 =	sld [smem:$0x3FAA]  }
0x2a: {  	p0 =	seq.s32 s5, $0x0;
	s5 =	sld [smem:$0x3FAB]  }
0x2b: {  	s6 =	sld [smem:$0x3FAC]  }
0x2c: {  	s7 =	sld [smem:$0x3FAD]  }
0x2d: {  	s3 =	simm.s32 $0x108;
	s8 =	sld [smem:$0x3FAE]  }
0x2e: {  	s3 =	simm.s32 @!p0 $0x1082;
	s9 =	sld [smem:$0x3FAF]  }
0x2f: {  	lr =	sadd.s32 s0, s3;
	s0 =	sld [smem:$0x3FA6]  }
0x30: {  	s3 =	sld [smem:$0x3FA9]  }
0x31: {  	[smem:$0x3FB2] =	sst s10  }
0x32: {  	s10 =	sld [smem:$0x3FB0];
	_ =	sdelay $0x3  }
0x33: {  	p0 =	seq.s32 s10, $0x1;
	s10 =	sld [smem:$0x3FB2];
	_ =	sdelay $0x3  }
0x34: {  	[smem:$0x3FB2] =	sst s10  }
0x35: {  	s10 =	sld [smem:$0x3FB1];
	_ =	sdelay $0x3  }
0x36: {  	p1 =	seq.s32 s10, $0x1;
	s10 =	sld [smem:$0x3FB2];
	_ =	sdelay $0x3  }
0x37: {  	[smem:$0x3FB2] =	sst s10  }
0x38: {  	s10 =	sld [smem:$0x3FB3]  }
0x39: {  	_ = 	snop;
	(pc) =	sbr.ind lr, $3  }
0x3a: {  	_ = 	snop  }
0x3b: {  	_ = 	snop  }
0x3c: {  	p2 =	seq.s32 s10, $0x1;
	s10 =	sld [smem:$0x3FB2]  }
0x3d: {  	_ =	shalt  }
0x3e: {  	_ =	shalt  }
0x3f: {  	_ =	shalt  }
0x40: {  	_ =	shalt  }
0x41: {  	_ =	shalt  }
0x42: {  	_ =	shalt  }
0x43: {  	_ =	shalt  }
0x44: {  	_ =	shalt  }
0x45: {  	_ =	shalt  }
0x46: {  	_ =	shalt  }
0x47: {  	_ =	shalt  }
0x48: {  	_ =	shalt  }
0x49: {  	_ =	shalt  }
0x4a: {  	_ =	shalt  }
0x4b: {  	_ =	shalt  }
0x4c: {  	_ =	shalt  }
0x4d: {  	_ =	shalt  }
0x4e: {  	_ =	shalt  }
0x4f: {  	_ =	shalt  }
0x50: {  	_ =	shalt  }
0x51: {  	_ =	shalt  }
0x52: {  	_ =	shalt  }
0x53: {  	_ =	shalt  }
0x54: {  	_ =	shalt  }
0x55: {  	_ =	shalt  }
0x56: {  	_ =	shalt  }
0x57: {  	_ =	shalt  }
0x58: {  	_ =	shalt  }
0x59: {  	_ =	shalt  }
0x5a: {  	_ =	shalt  }
0x5b: {  	_ =	shalt  }
0x5c: {  	_ =	shalt  }
0x5d: {  	_ =	shalt  }
0x5e: {  	_ =	shalt  }
0x5f: {  	_ =	shalt  }
0x60: {  	_ =	shalt  }
0x61: {  	_ =	shalt  }
0x62: {  	_ =	shalt  }
0x63: {  	_ =	shalt  }
0x64: {  	_ =	shalt  }
0x65: {  	_ =	shalt  }
0x66: {  	_ =	shalt  }
0x67: {  	_ =	shalt  }
0x68: {  	_ =	shalt  }
0x69: {  	_ =	shalt  }
0x6a: {  	_ =	shalt  }
0x6b: {  	_ =	shalt  }
0x6c: {  	_ =	shalt  }
0x6d: {  	_ =	shalt  }
0x6e: {  	_ =	shalt  }
0x6f: {  	_ =	shalt  }
0x70: {  	_ =	shalt  }
0x71: {  	_ =	shalt  }
0x72: {  	_ =	shalt  }
0x73: {  	_ =	shalt  }
0x74: {  	_ =	shalt  }
0x75: {  	_ =	shalt  }
0x76: {  	_ =	shalt  }
0x77: {  	_ =	shalt  }
0x78: {  	_ =	shalt  }
0x79: {  	_ =	shalt  }
0x7a: {  	_ =	shalt  }
0x7b: {  	_ =	shalt  }
0x7c: {  	_ =	shalt  }
0x7d: {  	_ =	shalt  }
0x7e: {  	_ =	shalt  }
0x7f: {  	_ =	shalt  }
0x80: {  	_ =	shalt  }
0x81: {  	_ =	shalt  }
0x82: {  	_ =	shalt  }
0x83: {  	_ =	shalt  }
0x84: {  	_ =	shalt  }
0x85: {  	_ =	shalt  }
0x86: {  	_ =	shalt  }
0x87: {  	_ =	shalt  }
.Lfunc_end0:
.L_simem_size_0:
called_computation_lowered:
.L_overlay_start_0:
0x88: {  	s2 =	sld [smem:$0x3FD9]  }
0x89: {  	s3 =	sld [smem:$0x3FFE];
	_ =	sdelay $0x1  }
0x8a: {  	s1 =	srdreg.scid  }
0x8b: {  	s0 =	sand.u32 $0x1, s1  }
0x8c: {  	s17 =	sshll.u32 s0, $0xA;
	s2 =	sadd.s32 s3, s2  }
0x8d: {  	s2 =	sadd.s32 s2, s17  }
0x8e: {  	[smem:$0x3FBE] =	sst s2  }
0x8f: {  	_ = 	snop  }
0x90: {  	s2 =	sld [smem:$0x3FD0];
	(tm) =	ssettm $0x1  }
0x91: {  	s18 =	sld [smem:$0x3FFB];
	_ =	sdelay $0x3  }
0x92: {  	_ =	strace s18  }
0x93: {  	s3 =	sld [smem:$0x3FFC];
	_ =	sdelay $0x3  }
0x94: {  	_ =	strace s3  }
0x95: {  	s3 =	sld [smem:$0x3FFD];
	_ =	sdelay $0x3  }
0x96: {  	_ =	strace s3  }
0x97: {  	_ =	strace $0x8FFFFFFF  }
0x98: {  	s19 =	sld [smem:$0x3FDB];
	_ =	sdelay $0x1  }
0x99: {  	s4 =	simm.s32 $_scs_section_size  }
0x9a: {  	s5 =	simm.s32 $_size__tile_overlayer_lowered;
	s6 =	simm.s32 $_tile_overlayer_lowered  }
0x9b: {  	s22 =	simm.s32 $0x1BFF;
	s21 =	sshll.u32 s6, $0x1;
	s3 =	sadd.s32 s4, s19  }
0x9c: {  	s7 =	simm.s32 $0x0;
	s20 =	sshll.u32 s5, $0x1;
	s5 =	sadd.s32 s21, s3  }
0x9d: {  	[timem:s7], [sflag:s22] =	dma.local [hbm:s5], s20  }
0x9e: {  	_ =	swait.ge [sflag:s22], s20  }
0x9f: {  	s4 =	ssub.s32 $0x0, s20;
	[sflag:s22] =	ssyncset.done $0x0  }
0xa0: {  	[sflag:s22] =	ssyncadd.s32 s4;
	_ =	sdelay $0x1  }
0xa1: {  	s23 =	simm.s32 $0x1B8B  }
0xa2: {  	_ =	swait.ge [sflag:s23], $0x1  }
0xa3: {  	[sflag:s23] =	ssyncset.done $0x0  }
0xa4: {  	s25 =	simm.s32 $0x1B8E;
	s24 =	sld [smem:$0x3FFE];
	[sflag:s23] =	ssyncadd.s32 $0xFFFFFFFF  }
0xa5: {  	s26 =	simm.s32 $execute0_lowered;
	[smem:$0x3FD2] =	sst s25  }
0xa6: {  	s5 =	sshll.u32 s26, $0x1;
	_ =	strace $0x80000046;
	[dreg:$0x1] =	wrdreg $0xFFFFFFFF  }
0xa7: {  	s28 =	simm.s32 $_size_execute0_lowered;
	s3 =	sadd.s32 s3, s5;
	[dreg:$0x0] =	wrdreg $0x0  }
0xa8: {  	s5 =	sshll.u32 s28, $0x1;
	[dreg:$0x2] =	wrdreg s3  }
0xa9: {  	[dreg:$0x3] =	wrdreg s5  }
0xaa: {  	[dreg:$0x4] =	wrdreg $0xC0  }
0xab: {  	_ =	task [dreg:s7], $0x5FFFF  }
0xac: {  	[dreg:$0x1] =	wrdreg $0xFFFFFFFF  }
0xad: {  	[dreg:$0x0] =	wrdreg $0x60  }
0xae: {  	[dreg:$0x2] =	wrdreg s2  }
0xaf: {  	[dreg:$0x3] =	wrdreg s24  }
0xb0: {  	[dreg:$0x4] =	wrdreg $0x9  }
0xb1: {  	_ =	task.clear_ibuf [dreg:s7], $0x5FFFF;
	_ =	strace $0x90000046  }
0xb2: {  	s29 =	simm.s32 $0x9;
	_ =	strace $0x80000048  }
0xb3: {  	_ =	swait.ge [sflag:s29], $0x1  }
0xb4: {  	[sflag:s29] =	ssyncadd.s32 $0xFFFFFFFF  }
0xb5: {  	_ =	strace $0x90000048  }
0xb6: {  	_ =	sfence  }
0xb7: {  	s30 =	sld [smem:$0x0];
	_ =	sdelay $0x2  }
0xb8: {  	s31 =	sshll.u32 s1, $0xD;
	s1 =	sshrl.u32 s1, $0x2  }
0xb9: {  	s3 =	sand.u32 $0x4000, s31;
	s1 =	sadd.s32 s1, s30  }
0xba: {  	s0 =	sor.u32 s3, s0;
	s1 =	sshll.u32 s1, $0x11  }
0xbb: {  	s0 =	sor.u32 s1, s0  }
0xbc: {  	s0 =	sadd.s32 $0x8F2B, s0  }
0xbd: {  	[sflag:s0] =	ssyncadd.remote.s32 $0x1  }
0xbe: {  	_ =	sfence.sel $0xFFFF  }
0xbf: {  	[dreg:$0x0] =	wrdreg $0xFFFFFFFF;
	(pc) =	sbr.abs _section_cstart, $3  }
0xc0: {  	[dreg:$0x1] =	wrdreg $0xFFFFFFFF  }
0xc1: {  	_ =	task.clear_ibuf [dreg:s7], $0x2FFFF;
	_ =	strace $0x9FFFFFFF  }
0xc2: {  	(tm) =	ssettm $0x7FFFFFFF  }
0xc3: {  	_ =	shalt  }
tec
execute0_lowered:
.L_overlay_start_1:
0x0: {  	(tag) =	ssettag $0x1  }
0x1: {  	s3 =	rddreg [dreg:$0x0]  }
0x2: {  	s5 =	rddreg [dreg:$0x1];
	s2 =	srdreg.scid  }
0x3: {  	s0 =	rddreg [dreg:$0x2];
	s1 =	stileid.u32;
	s8 =	sand.u32 $0x1, s2  }
0x4: {  	s2 =	simm.s32 $0x0;
	s4 =	sshll.u32 s1, $0x5;
	s6 =	sshll.u32 s8, $0x4  }
0x5: {  	[smem:$0x7FF] =	sst s2;
	s6 =	sor.u32 s6, s4  }
0x6: {  	_ =	strace $0x80000047;
	s4 =	sadd.s32 s3, s6;
	s3 =	simm.s32 $0x1  }
0x7: {  	[tilespmem:s2], [sflag:$0x1] =	stream.linear.gather [hbm4b:s4+s2], $0x80, $0x38;
	[tilespmem:$0x200] =	vst v63  }
0x8: {  	_ =	swait.ge [sflag:s3], $0x80  }
0x9: {  	s9 =	sadd.s32 s6, s5;
	[sflag:s3] =	ssyncset.done $0x0  }
0xa: {  	s6 =	simm.s32 $0x80;
	s5 =	sadd.s32 $0x1800, s9;
	[sflag:s3] =	ssyncadd.s32 $0xFFFFFF80  }
0xb: {  	[tilespmem:s6], [sflag:$0x1] =	stream.linear.gather [hbm4b:s5+s2], $0x80, $0x38;
	[tilespmem:$0x200] =	vst v63  }
0xc: {  	_ =	swait.ge [sflag:s3], $0x80  }
0xd: {  	[sflag:s3] =	ssyncset.done $0x0  }
0xe: {  	[sflag:s3] =	ssyncadd.s32 $0xFFFFFF80  }
0xf: {  	v1 =	vld [tilespmem:$0x0];
	_ =	sdelay $0x3  }
0x10: {  	v0 =	vlaneseq.u32  }
0x11: {  	(xrf1) =	vsort.dscd.msk.f32 $0xffff, v1, v0;
	_ =	sdelay $0xd  }
0x12: {  	v1 =	vshrl.u32 v0, $0x2;
	_, v2, _ =	vpop (xrf1);
	_ =	sdelay $0x2  }
0x13: {  	s7 =	simm.s32 $0x100  }
0x14: {  	[tilespmem:v2+s7+$0x0] =	vst.idx.msk $0xffff, v0  }
0x15: {  	v2 =	vld.idx.msk [tilespmem:v1+s7+$0x0], $0xffff  }
0x16: {  	v3 =	vld [tilespmem:$0x80];
	_ =	sdelay $0x3  }
0x17: {  	vm0 =	vlt.s32 v2, $0x2  }
0x18: {  	v2 =	vnsel vm0, $0xCE6E6B28, v3  }
0x19: {  	(xrf1) =	vsort.dscd.msk.f32 $0xffff, v2, v0;
	_ =	sdelay $0xd  }
0x1a: {  	v2, v3, _ =	vpop (xrf1)  }
0x1b: {  	(xrf0) =	vmax.scan.msk.f32 $0xffff, v2;
	_ =	sdelay $0x5  }
0x1c: {  	v4, _, _ =	vpop (xrf0)  }
0x1d: {  	v4 =	vbroadcast v4, $0xF;
	_ =	sdelay $0x1  }
0x1e: {  	v2 =	vsub.f32 v2, v4;
	_ =	sdelay $0x1  }
0x1f: {  	v2 =	vmul.f32 $1.442695020e+00, v2;
	_ =	sdelay $0x1  }
0x20: {  	(erf) = vpow2.f32 v2;
	_ =	sdelay $0x8  }
0x21: {  	vm0 =	vmmov $0x3;
	v2 =	vpop (erf)  }
0x22: {  	v2 =	vnsel vm0, $0x0, v2  }
0x23: {  	(xrf2) =	vadd.scan.msk.f32 $0xffff, v2;
	_ =	sdelay $0x9  }
0x24: {  	v63, _, _ =	vpop (xrf2)  }
0x25: {  	v4 =	vbroadcast v63, $0xF;
	_ =	sdelay $0x1  }
0x26: {  	(erf) = vrcp.f32 v4;
	_ =	sdelay $0x5  }
0x27: {  	s8 =	ssub.s32 $0x2, s8  }
0x28: {  	s10 =	sshrl.u32 s8, $0x1  }
0x29: {  	s10 =	ssub.s32 s8, s10  }
0x2a: {  	s10 =	smax.u32 s10, $0x1;
	v4 =	vpop (erf)  }
0x2b: {  	p0 =	sne.s32 s10, $0x1;
	v2 =	vmul.f32 v4, v2  }
.Ltmp0:
0x2c: {  	s8 =	simm.s32 $0x180;
	(pc) =	sbr.rel @!p0 .LBB2_2-.Ltmp0, $4  }
0x2d: {  	s9 =	sadd.s32 $0x1A00, s9;
	[tilespmem:v3+s8+$0x0] =	vst.idx.msk $0xffff, v2  }
0x2e: {  	[hbm4b:s9+s2] =	stream.linear.scatter [tilespmem:s8], [sflag:$0x1], $0x80, $0x38;
	[tilespmem:$0x200] =	vst v63  }
0x2f: {  	_ =	swait.ge [sflag:s3], $0x80  }
0x30: {  	s10 =	sadd.s32 $0xFFFFFFFF, s10;
	[sflag:s3] =	ssyncset.done $0x0  }
.LBB2_1:
0x31: {  	p0 =	sne.s32 s10, $0x1;
	s10 =	sadd.s32 $0xFFFFFFFF, s10;
	[sflag:s3] =	ssyncadd.s32 $0xFFFFFF80  }
0x32: {  	[tilespmem:s2], [sflag:$0x1] =	stream.linear.gather [hbm4b:s4+s2], $0x80, $0x38;
	[tilespmem:$0x200] =	vst v63  }
0x33: {  	_ =	swait.ge [sflag:s3], $0x80  }
0x34: {  	[sflag:s3] =	ssyncset.done $0x0  }
0x35: {  	[sflag:s3] =	ssyncadd.s32 $0xFFFFFF80  }
0x36: {  	[tilespmem:s6], [sflag:$0x1] =	stream.linear.gather [hbm4b:s5+s2], $0x80, $0x38;
	[tilespmem:$0x200] =	vst v63  }
0x37: {  	_ =	swait.ge [sflag:s3], $0x80  }
0x38: {  	[sflag:s3] =	ssyncset.done $0x0  }
0x39: {  	[sflag:s3] =	ssyncadd.s32 $0xFFFFFF80  }
0x3a: {  	v2 =	vld [tilespmem:$0x0];
	_ =	sdelay $0x4  }
0x3b: {  	(xrf1) =	vsort.dscd.msk.f32 $0xffff, v2, v0;
	_ =	sdelay $0xd  }
0x3c: {  	_, v2, _ =	vpop (xrf1);
	_ =	sdelay $0x4  }
0x3d: {  	[tilespmem:v2+s7+$0x0] =	vst.idx.msk $0xffff, v0  }
0x3e: {  	v2 =	vld.idx.msk [tilespmem:v1+s7+$0x0], $0xffff;
	_ =	sdelay $0x1  }
0x3f: {  	v3 =	vld [tilespmem:$0x80];
	_ =	sdelay $0x3  }
0x40: {  	vm1 =	vlt.s32 v2, $0x2  }
0x41: {  	v2 =	vnsel vm1, $0xCE6E6B28, v3  }
0x42: {  	(xrf1) =	vsort.dscd.msk.f32 $0xffff, v2, v0;
	_ =	sdelay $0xd  }
0x43: {  	v2, v3, _ =	vpop (xrf1)  }
0x44: {  	(xrf0) =	vmax.scan.msk.f32 $0xffff, v2;
	_ =	sdelay $0x5  }
0x45: {  	v4, _, _ =	vpop (xrf0)  }
0x46: {  	v4 =	vbroadcast v4, $0xF;
	_ =	sdelay $0x1  }
0x47: {  	v2 =	vsub.f32 v2, v4;
	_ =	sdelay $0x1  }
0x48: {  	v2 =	vmul.f32 $1.442695020e+00, v2;
	_ =	sdelay $0x1  }
0x49: {  	(erf) = vpow2.f32 v2;
	_ =	sdelay $0x8  }
0x4a: {  	v2 =	vpop (erf)  }
0x4b: {  	v2 =	vnsel vm0, $0x0, v2  }
0x4c: {  	(xrf2) =	vadd.scan.msk.f32 $0xffff, v2;
	_ =	sdelay $0x9  }
0x4d: {  	v4, _, _ =	vpop (xrf2)  }
0x4e: {  	v4 =	vbroadcast v4, $0xF;
	_ =	sdelay $0x1  }
0x4f: {  	(erf) = vrcp.f32 v4;
	_ =	sdelay $0x8  }
0x50: {  	v4 =	vpop (erf)  }
0x51: {  	v2 =	vmul.f32 v4, v2  }
.Ltmp1:
0x52: {  	(pc) =	sbr.rel @p0 .LBB2_1-.Ltmp1, $4  }
0x53: {  	[tilespmem:v3+s8+$0x0] =	vst.idx.msk $0xffff, v2  }
0x54: {  	[hbm4b:s9+s2] =	stream.linear.scatter [tilespmem:s8], [sflag:$0x1], $0x80, $0x38;
	[tilespmem:$0x200] =	vst v63  }
0x55: {  	_ =	swait.ge [sflag:s3], $0x80  }
0x56: {  	[sflag:s3] =	ssyncset.done $0x0  }
.LBB2_2:
0x57: {  	[sflag:s3] =	ssyncadd.s32 $0xFFFFFF80  }
0x58: {  	_ =	sfence.sel $0x180000  }
0x59: {  	[bflag:$0x0] =	sbarrier.arrive $0xFFFF  }
0x5a: {  	p0 =	sne.s32 s1, $0x0;
	_ =	strace $0x90000047  }
0x5b: {  	s0 =	sadd.s32 @!p0 $0x100000, s0;
	[bflag:$0x2] =	sbarrier.arrive $0xFFFF  }
0x5c: {  	[sflag:s0] =	ssyncadd.tile.s32 @!p0 $0x1;
	_ =	shalt  }
.Lfunc_end2:
_tile_overlayer_lowered:
.L_overlay_start_2:
0x5d: {  	(tag) =	ssettag $0x2  }
0x5e: {  	s0 =	rddreg [dreg:$0x0];
	s2 =	stileid.u32  }
0x5f: {  	s1 =	rddreg [dreg:$0x1];
	p0 =	sne.s32 s2, $0x0  }
0x60: {  	s3 =	rddreg [dreg:$0x2];
	[bflag:$0x3] =	sbarrier.arrive $0xFFFF;
	s2 =	simm.s32 @!p0 $0x1C01  }
0x61: {  	[timem:s3], [sflag:s2] =	dma.local @!p0 [hbm:s0], s1  }
0x62: {  	s0 =	simm.s32 @!p0 $0x1  }
0x63: {  	_ =	swait.ge @!p0 [sflag:s0], s1  }
0x64: {  	s1 =	ssub.s32 @!p0 $0x0, s1;
	[sflag:s0] =	ssyncset.done @!p0 $0x0  }
0x65: {  	[sflag:s0] =	ssyncadd.s32 @!p0 s1  }
0x66: {  	[bflag:$0x3] =	sbarrier.arrive $0xFFFF  }
0x67: {  	_ =	shalt  }

</sc_bundles>
